<compile_context>
chip_gen: v7x
topology: tpu7x:2x2x1
jax: 0.10.2.dev20260603
libtpu: 0.0.44.dev20260713+nightly
codegen_flags: <defaults>
</compile_context>

<pallas_src>
import functools

import jax
import jax.numpy as jnp
from jax import lax
from jax.experimental import pallas as pl
from jax.experimental.pallas import tpu as pltpu
from jax.experimental.pallas import tpu_sc as plsc

_A = 4096
_CODE = 2048
_ARITY = 4
_CBLK = 128
_OBLK = 256
_NRED = _CODE // _CBLK
_NJ = _A // _OBLK
_NOUT = 2 * _NJ

_NC, _NS = 2, 16
_NW = _NC * _NS
_APW = _A // _NW
_LG = _APW // 16
_CCH = 64
_NCH = _CODE // _CCH


@functools.partial(
    pl.kernel,
    mesh=plsc.VectorSubcoreMesh(core_axis_name="c", subcore_axis_name="s"),
    out_type=jax.ShapeDtypeStruct((_A,), jnp.float32),
    scratch_types=[
        pltpu.VMEM((_CCH, _ARITY, _APW), jnp.float32),
        pltpu.VMEM((_APW,), jnp.float32),
    ],
)
def _sc_active_v(v_hbm, act_hbm, buf, acc):
    wid = lax.axis_index("s") * _NC + lax.axis_index("c")
    base = wid * _APW

    def chunk(ci, carry):
        pltpu.sync_copy(
            v_hbm.at[pl.ds(ci * _CCH, _CCH), :, pl.ds(base, _APW)], buf)

        def row(a, vecs):
            out = []
            for j in range(_LG):
                m = vecs[j]
                for b in range(_ARITY):
                    m = jnp.maximum(m, buf[a, b, pl.ds(j * 16, 16)])
                out.append(m)
            return tuple(out)

        return lax.fori_loop(0, _CCH, row, carry)

    zero = jnp.zeros((16,), jnp.float32)
    res = lax.fori_loop(0, _NCH, chunk, tuple(zero for _ in range(_LG)))
    for j in range(_LG):
        acc[pl.ds(j * 16, 16)] = res[j]
    pltpu.sync_copy(acc, act_hbm.at[pl.ds(base, _APW)])


def _tc_reduce_u(u_ref, act_ref):
    i = pl.program_id(0)
    part = jnp.max(u_ref[...], axis=(0, 1)).reshape(1, _A)

    @pl.when(i == 0)
    def _():
        act_ref[...] = part

    @pl.when(i > 0)
    def _():
        act_ref[...] = jnp.maximum(act_ref[...], part)


def _tc_outer(au_ref, av_ref, co_ref, acc_ref, acct_ref):
    i = pl.program_id(0)

    @pl.when(i == 0)
    def _():
        acc_ref[0:1] = au_ref[...]
        acc_ref[1:2] = av_ref[...]
        acc_ref[2:8] = jnp.zeros((6, _A), jnp.float32)
        acct_ref[...] = jnp.transpose(acc_ref[...])

    s = i // _NJ
    j = i % _NJ
    row = acc_ref[pl.ds(s, 1), :]
    col8 = acct_ref[pl.ds(j * _OBLK, _OBLK), :]
    col = jnp.where(s == 0, col8[:, 0:1], col8[:, 1:2])
    co_ref[0] = col * row


def kernel(combo_indices_U, combo_indices_V, atoms_U, atoms_V,
           co_activation_U, co_activation_V, atom_hits_U, atom_hits_V):
    act_v = _sc_active_v(combo_indices_V)

    act_u = pl.pallas_call(
        _tc_reduce_u,
        grid=(_NRED,),
        in_specs=[pl.BlockSpec((_CBLK, _ARITY, _A), lambda i: (i, 0, 0))],
        out_specs=pl.BlockSpec((1, _A), lambda i: (0, 0)),
        out_shape=jax.ShapeDtypeStruct((1, _A), jnp.float32),
        compiler_params=pltpu.CompilerParams(
            dimension_semantics=("arbitrary",)),
    )(combo_indices_U)

    act_v2 = act_v.reshape(1, _A)

    co_stack = pl.pallas_call(
        _tc_outer,
        grid=(_NOUT,),
        in_specs=[
            pl.BlockSpec((1, _A), lambda i: (0, 0)),
            pl.BlockSpec((1, _A), lambda i: (0, 0)),
        ],
        out_specs=pl.BlockSpec((1, _OBLK, _A),
                               lambda i: (i // _NJ, i % _NJ, 0)),
        out_shape=jax.ShapeDtypeStruct((2, _A, _A), jnp.float32),
        scratch_shapes=[
            pltpu.VMEM((8, _A), jnp.float32),
            pltpu.VMEM((_A, 8), jnp.float32),
        ],
        compiler_params=pltpu.CompilerParams(
            dimension_semantics=("arbitrary",)),
    )(act_u, act_v2)

    act = jnp.concatenate([act_u, act_v2], axis=0)
    hits_stack = act + jnp.stack([atom_hits_U, atom_hits_V])
    return (co_stack, hits_stack)

# --- scband reference (transcript-rebuilt; emitter-appended) ---
"""Pipeline reference for scband-hebbian-atom-resonance-31147102830875 (READ-ONLY COPY).

The authoritative reference and input builder live on the scoring server;
editing this copy changes nothing except your own understanding.
"""

import jax, jax.numpy as jnp
import numpy as np

NUM_ATOMS = 4096
RANK = 64
CODEBOOK = 2048
XOR_ARITY = 4


def setup_inputs(seed: int = 0) -> dict:
    key = jax.random.key(seed)
    k1, k2, k3, k4 = jax.random.split(key, 4)
    combo_indices_U = jax.random.randint(k1, (CODEBOOK, XOR_ARITY, NUM_ATOMS), 0, 2).astype(jnp.float32)
    combo_indices_V = jax.random.randint(k2, (CODEBOOK, XOR_ARITY, NUM_ATOMS), 0, 2).astype(jnp.float32)
    atoms_U = jax.random.normal(k3, (NUM_ATOMS, RANK), dtype=jnp.float32)
    atoms_V = jax.random.normal(k4, (NUM_ATOMS, RANK), dtype=jnp.float32)
    # persistent buffers (registered buffers in the torch module)
    co_activation_U = jnp.zeros((NUM_ATOMS, NUM_ATOMS), dtype=jnp.float32)
    co_activation_V = jnp.zeros((NUM_ATOMS, NUM_ATOMS), dtype=jnp.float32)
    atom_hits_U = jnp.zeros((NUM_ATOMS,), dtype=jnp.float32)
    atom_hits_V = jnp.zeros((NUM_ATOMS,), dtype=jnp.float32)
    return {
        "combo_indices_U": combo_indices_U,
        "combo_indices_V": combo_indices_V,
        "atoms_U": atoms_U,
        "atoms_V": atoms_V,
        "co_activation_U": co_activation_U,
        "co_activation_V": co_activation_V,
        "atom_hits_U": atom_hits_U,
        "atom_hits_V": atom_hits_V,
    }


def reference(combo_indices_U, combo_indices_V, atoms_U, atoms_V,
              co_activation_U, co_activation_V, atom_hits_U, atom_hits_V):
    # Faithful translation of HebbianAtomResonance.observe() on a
    # non-resonance-interval step (registered=True, step % interval != 0).
    atoms_U_bin = jnp.sign(atoms_U)
    atoms_V_bin = jnp.sign(atoms_V)

    # [codebook, xor_arity, num_atoms] -> [codebook, num_atoms]
    combo_flat_U = combo_indices_U.sum(axis=1)
    combo_flat_V = combo_indices_V.sum(axis=1)

    # which atoms were selected at all this step
    atom_active_U = (combo_flat_U.sum(axis=0) > 0).astype(jnp.float32)
    atom_active_V = (combo_flat_V.sum(axis=0) > 0).astype(jnp.float32)

    # hit-count accumulation
    new_hits_U = atom_hits_U + atom_active_U
    new_hits_V = atom_hits_V + atom_active_V

    # co-activation outer products, accumulated into persistent buffers
    co_U = jnp.einsum('a,b->ab', atom_active_U, atom_active_U)
    co_V = jnp.einsum('a,b->ab', atom_active_V, atom_active_V)
    new_co_U = co_activation_U + co_U
    new_co_V = co_activation_V + co_V

    co_stack = jnp.stack([new_co_U, new_co_V])
    hits_stack = jnp.stack([new_hits_U, new_hits_V])
    return (co_stack, hits_stack)

if __name__ == "__main__":
    import jax
    _d = setup_inputs()
    print(jax.jit(kernel)(*tuple(_d.values())))

</pallas_src>

<mosaic_0001>
#map = affine_map<(d0, d1) -> (0, 0, 0)>
#map1 = affine_map<(d0, d1) -> (0)>
module attributes {stable_mosaic.version = 14 : i64} {
  func.func @_sc_active_v(%arg0: i32, %arg1: i32, %arg2: memref<2048x4x4096xf32, #tpu.memory_space<hbm>>, %arg3: memref<4096xf32, #tpu.memory_space<hbm>>, %arg4: memref<64x4x128xf32, #tpu.memory_space<vmem>>, %arg5: memref<128xf32, #tpu.memory_space<vmem>>) attributes {dimension_semantics = [#tpu.dimension_semantics<core_parallel>, #tpu.dimension_semantics<subcore_parallel>], iteration_bounds = array<i64: 2, 16>, scalar_prefetch = 0 : i64, scratch_operands = 2 : i64, tpu.core_type = #tpu.core_type<sc_vector_subcore>, window_params = [{transform_indices = #map}, {transform_indices = #map1}]} {
    %mul3A = arith.constant 2 : i32
    %mul3A_0 = arith.muli %arg1, %mul3A : i32
    %add3A = arith.addi %mul3A_0, %arg0 : i32
    %mul3A_1 = arith.constant 128 : i32
    %mul3A_2 = arith.muli %add3A, %mul3A_1 : i32
    %broadcast_in_dim3A = arith.constant 0.000000e+00 : f32
    %broadcast_in_dim3A_3 = vector.broadcast %broadcast_in_dim3A : f32 to vector<16xf32>
    %scan3A = arith.constant 0 : i32
    %scan3A_4 = arith.constant 32 : i32
    %scan3A_5 = arith.addi %scan3A, %scan3A_4 : i32
    %scan3A_6 = arith.constant 1 : i32
    %scan3A_7:8 = scf.for %scan3A_40 = %scan3A to %scan3A_5 step %scan3A_6 iter_args(%scan3A_41 = %broadcast_in_dim3A_3, %scan3A_42 = %broadcast_in_dim3A_3, %scan3A_43 = %broadcast_in_dim3A_3, %scan3A_44 = %broadcast_in_dim3A_3, %scan3A_45 = %broadcast_in_dim3A_3, %scan3A_46 = %broadcast_in_dim3A_3, %scan3A_47 = %broadcast_in_dim3A_3, %scan3A_48 = %broadcast_in_dim3A_3) -> (vector<16xf32>, vector<16xf32>, vector<16xf32>, vector<16xf32>, vector<16xf32>, vector<16xf32>, vector<16xf32>, vector<16xf32>)  : i32 {
      %mul3A_49 = arith.constant 64 : i32
      %mul3A_50 = arith.muli %scan3A_40, %mul3A_49 : i32
      "tpu.region"() ({
        %run_scoped3A = tpu.sem_alloc : memref<!tpu.dma_semaphore, #tpu.memory_space<semaphore_mem>>
        %dma_start3A = arith.constant 0 : i32
        %dma_start3A_57 = tpu.memref_slice %arg2[%mul3A_50, %dma_start3A, %mul3A_2] : memref<2048x4x4096xf32, #tpu.memory_space<hbm>> -> memref<64x4x128xf32, #tpu.memory_space<hbm>>
        %dma_start3A_58 = arith.constant 0 : i32
        %dma_start3A_59 = tpu.memref_slice %arg2[%mul3A_50, %dma_start3A_58, %mul3A_2] : memref<2048x4x4096xf32, #tpu.memory_space<hbm>> -> memref<64x4x128xf32, #tpu.memory_space<hbm>>
        tpu.enqueue_dma source(%dma_start3A_59 : memref<64x4x128xf32, #tpu.memory_space<hbm>>) target(%arg4 : memref<64x4x128xf32, #tpu.memory_space<vmem>>) target_semaphore(%run_scoped3A : memref<!tpu.dma_semaphore, #tpu.memory_space<semaphore_mem>>)
        %dma_wait3A = arith.constant 0 : i32
        %dma_wait3A_60 = tpu.memref_slice %arg2[%mul3A_50, %dma_wait3A, %mul3A_2] : memref<2048x4x4096xf32, #tpu.memory_space<hbm>> -> memref<64x4x128xf32, #tpu.memory_space<hbm>>
        %dma_wait3A_61 = arith.constant 0 : i32
        %dma_wait3A_62 = tpu.memref_slice %arg2[%mul3A_50, %dma_wait3A_61, %mul3A_2] : memref<2048x4x4096xf32, #tpu.memory_space<hbm>> -> memref<64x4x128xf32, #tpu.memory_space<hbm>>
        tpu.wait_dma2 semaphore(%run_scoped3A : memref<!tpu.dma_semaphore, #tpu.memory_space<semaphore_mem>>) src(%dma_wait3A_62 : memref<64x4x128xf32, #tpu.memory_space<hbm>>) dst(%arg4 : memref<64x4x128xf32, #tpu.memory_space<vmem>>)
        tpu.yield
      }) : () -> ()
      %scan3A_51 = arith.constant 0 : i32
      %scan3A_52 = arith.constant 64 : i32
      %scan3A_53 = arith.addi %scan3A_51, %scan3A_52 : i32
      %scan3A_54 = arith.constant 1 : i32
      %scan3A_55:8 = scf.for %scan3A_57 = %scan3A_51 to %scan3A_53 step %scan3A_54 iter_args(%scan3A_58 = %scan3A_41, %scan3A_59 = %scan3A_42, %scan3A_60 = %scan3A_43, %scan3A_61 = %scan3A_44, %scan3A_62 = %scan3A_45, %scan3A_63 = %scan3A_46, %scan3A_64 = %scan3A_47, %scan3A_65 = %scan3A_48) -> (vector<16xf32>, vector<16xf32>, vector<16xf32>, vector<16xf32>, vector<16xf32>, vector<16xf32>, vector<16xf32>, vector<16xf32>)  : i32 {
        %get3A = arith.constant 0 : i32
        %get3A_66 = arith.index_cast %scan3A_57 : i32 to index
        %get3A_67 = arith.index_cast %get3A : i32 to index
        %get3A_68 = arith.constant 0 : index
        %get3A_69 = tpu.vector_load %arg4[%get3A_66, %get3A_67, %get3A_68] {strides = array<i32>} : memref<64x4x128xf32, #tpu.memory_space<vmem>>, vector<1x1x16xf32>,
        %get3A_70 = vector.shape_cast %get3A_69 : vector<1x1x16xf32> to vector<16xf32>
        %max3A = arith.maximumf %scan3A_58, %get3A_70 : vector<16xf32>
        %get3A_71 = arith.constant 1 : i32
        %get3A_72 = arith.index_cast %scan3A_57 : i32 to index
        %get3A_73 = arith.index_cast %get3A_71 : i32 to index
        %get3A_74 = arith.constant 0 : index
        %get3A_75 = tpu.vector_load %arg4[%get3A_72, %get3A_73, %get3A_74] {strides = array<i32>} : memref<64x4x128xf32, #tpu.memory_space<vmem>>, vector<1x1x16xf32>,
        %get3A_76 = vector.shape_cast %get3A_75 : vector<1x1x16xf32> to vector<16xf32>
        %max3A_77 = arith.maximumf %max3A, %get3A_76 : vector<16xf32>
        %get3A_78 = arith.constant 2 : i32
        %get3A_79 = arith.index_cast %scan3A_57 : i32 to index
        %get3A_80 = arith.index_cast %get3A_78 : i32 to index
        %get3A_81 = arith.constant 0 : index
        %get3A_82 = tpu.vector_load %arg4[%get3A_79, %get3A_80, %get3A_81] {strides = array<i32>} : memref<64x4x128xf32, #tpu.memory_space<vmem>>, vector<1x1x16xf32>,
        %get3A_83 = vector.shape_cast %get3A_82 : vector<1x1x16xf32> to vector<16xf32>
        %max3A_84 = arith.maximumf %max3A_77, %get3A_83 : vector<16xf32>
        %get3A_85 = arith.constant 3 : i32
        %get3A_86 = arith.index_cast %scan3A_57 : i32 to index
        %get3A_87 = arith.index_cast %get3A_85 : i32 to index
        %get3A_88 = arith.constant 0 : index
        %get3A_89 = tpu.vector_load %arg4[%get3A_86, %get3A_87, %get3A_88] {strides = array<i32>} : memref<64x4x128xf32, #tpu.memory_space<vmem>>, vector<1x1x16xf32>,
        %get3A_90 = vector.shape_cast %get3A_89 : vector<1x1x16xf32> to vector<16xf32>
        %max3A_91 = arith.maximumf %max3A_84, %get3A_90 : vector<16xf32>
        %get3A_92 = arith.constant 0 : i32
        %get3A_93 = arith.index_cast %scan3A_57 : i32 to index
        %get3A_94 = arith.index_cast %get3A_92 : i32 to index
        %get3A_95 = arith.constant 16 : index
        %get3A_96 = tpu.vector_load %arg4[%get3A_93, %get3A_94, %get3A_95] {strides = array<i32>} : memref<64x4x128xf32, #tpu.memory_space<vmem>>, vector<1x1x16xf32>,
        %get3A_97 = vector.shape_cast %get3A_96 : vector<1x1x16xf32> to vector<16xf32>
        %max3A_98 = arith.maximumf %scan3A_59, %get3A_97 : vector<16xf32>
        %get3A_99 = arith.constant 1 : i32
        %get3A_100 = arith.index_cast %scan3A_57 : i32 to index
        %get3A_101 = arith.index_cast %get3A_99 : i32 to index
        %get3A_102 = arith.constant 16 : index
        %get3A_103 = tpu.vector_load %arg4[%get3A_100, %get3A_101, %get3A_102] {strides = array<i32>} : memref<64x4x128xf32, #tpu.memory_space<vmem>>, vector<1x1x16xf32>,
        %get3A_104 = vector.shape_cast %get3A_103 : vector<1x1x16xf32> to vector<16xf32>
        %max3A_105 = arith.maximumf %max3A_98, %get3A_104 : vector<16xf32>
        %get3A_106 = arith.constant 2 : i32
        %get3A_107 = arith.index_cast %scan3A_57 : i32 to index
        %get3A_108 = arith.index_cast %get3A_106 : i32 to index
        %get3A_109 = arith.constant 16 : index
        %get3A_110 = tpu.vector_load %arg4[%get3A_107, %get3A_108, %get3A_109] {strides = array<i32>} : memref<64x4x128xf32, #tpu.memory_space<vmem>>, vector<1x1x16xf32>,
        %get3A_111 = vector.shape_cast %get3A_110 : vector<1x1x16xf32> to vector<16xf32>
        %max3A_112 = arith.maximumf %max3A_105, %get3A_111 : vector<16xf32>
        %get3A_113 = arith.constant 3 : i32
        %get3A_114 = arith.index_cast %scan3A_57 : i32 to index
        %get3A_115 = arith.index_cast %get3A_113 : i32 to index
        %get3A_116 = arith.constant 16 : index
        %get3A_117 = tpu.vector_load %arg4[%get3A_114, %get3A_115, %get3A_116] {strides = array<i32>} : memref<64x4x128xf32, #tpu.memory_space<vmem>>, vector<1x1x16xf32>,
        %get3A_118 = vector.shape_cast %get3A_117 : vector<1x1x16xf32> to vector<16xf32>
        %max3A_119 = arith.maximumf %max3A_112, %get3A_118 : vector<16xf32>
        %get3A_120 = arith.constant 0 : i32
        %get3A_121 = arith.index_cast %scan3A_57 : i32 to index
        %get3A_122 = arith.index_cast %get3A_120 : i32 to index
        %get3A_123 = arith.constant 32 : index
        %get3A_124 = tpu.vector_load %arg4[%get3A_121, %get3A_122, %get3A_123] {strides = array<i32>} : memref<64x4x128xf32, #tpu.memory_space<vmem>>, vector<1x1x16xf32>,
        %get3A_125 = vector.shape_cast %get3A_124 : vector<1x1x16xf32> to vector<16xf32>
        %max3A_126 = arith.maximumf %scan3A_60, %get3A_125 : vector<16xf32>
        %get3A_127 = arith.constant 1 : i32
        %get3A_128 = arith.index_cast %scan3A_57 : i32 to index
        %get3A_129 = arith.index_cast %get3A_127 : i32 to index
        %get3A_130 = arith.constant 32 : index
        %get3A_131 = tpu.vector_load %arg4[%get3A_128, %get3A_129, %get3A_130] {strides = array<i32>} : memref<64x4x128xf32, #tpu.memory_space<vmem>>, vector<1x1x16xf32>,
        %get3A_132 = vector.shape_cast %get3A_131 : vector<1x1x16xf32> to vector<16xf32>
        %max3A_133 = arith.maximumf %max3A_126, %get3A_132 : vector<16xf32>
        %get3A_134 = arith.constant 2 : i32
        %get3A_135 = arith.index_cast %scan3A_57 : i32 to index
        %get3A_136 = arith.index_cast %get3A_134 : i32 to index
        %get3A_137 = arith.constant 32 : index
        %get3A_138 = tpu.vector_load %arg4[%get3A_135, %get3A_136, %get3A_137] {strides = array<i32>} : memref<64x4x128xf32, #tpu.memory_space<vmem>>, vector<1x1x16xf32>,
        %get3A_139 = vector.shape_cast %get3A_138 : vector<1x1x16xf32> to vector<16xf32>
        %max3A_140 = arith.maximumf %max3A_133, %get3A_139 : vector<16xf32>
        %get3A_141 = arith.constant 3 : i32
        %get3A_142 = arith.index_cast %scan3A_57 : i32 to index
        %get3A_143 = arith.index_cast %get3A_141 : i32 to index
        %get3A_144 = arith.constant 32 : index
        %get3A_145 = tpu.vector_load %arg4[%get3A_142, %get3A_143, %get3A_144] {strides = array<i32>} : memref<64x4x128xf32, #tpu.memory_space<vmem>>, vector<1x1x16xf32>,
        %get3A_146 = vector.shape_cast %get3A_145 : vector<1x1x16xf32> to vector<16xf32>
        %max3A_147 = arith.maximumf %max3A_140, %get3A_146 : vector<16xf32>
        %get3A_148 = arith.constant 0 : i32
        %get3A_149 = arith.index_cast %scan3A_57 : i32 to index
        %get3A_150 = arith.index_cast %get3A_148 : i32 to index
        %get3A_151 = arith.constant 48 : index
        %get3A_152 = tpu.vector_load %arg4[%get3A_149, %get3A_150, %get3A_151] {strides = array<i32>} : memref<64x4x128xf32, #tpu.memory_space<vmem>>, vector<1x1x16xf32>,
        %get3A_153 = vector.shape_cast %get3A_152 : vector<1x1x16xf32> to vector<16xf32>
        %max3A_154 = arith.maximumf %scan3A_61, %get3A_153 : vector<16xf32>
        %get3A_155 = arith.constant 1 : i32
        %get3A_156 = arith.index_cast %scan3A_57 : i32 to index
        %get3A_157 = arith.index_cast %get3A_155 : i32 to index
        %get3A_158 = arith.constant 48 : index
        %get3A_159 = tpu.vector_load %arg4[%get3A_156, %get3A_157, %get3A_158] {strides = array<i32>} : memref<64x4x128xf32, #tpu.memory_space<vmem>>, vector<1x1x16xf32>,
        %get3A_160 = vector.shape_cast %get3A_159 : vector<1x1x16xf32> to vector<16xf32>
        %max3A_161 = arith.maximumf %max3A_154, %get3A_160 : vector<16xf32>
        %get3A_162 = arith.constant 2 : i32
        %get3A_163 = arith.index_cast %scan3A_57 : i32 to index
        %get3A_164 = arith.index_cast %get3A_162 : i32 to index
        %get3A_165 = arith.constant 48 : index
        %get3A_166 = tpu.vector_load %arg4[%get3A_163, %get3A_164, %get3A_165] {strides = array<i32>} : memref<64x4x128xf32, #tpu.memory_space<vmem>>, vector<1x1x16xf32>,
        %get3A_167 = vector.shape_cast %get3A_166 : vector<1x1x16xf32> to vector<16xf32>
        %max3A_168 = arith.maximumf %max3A_161, %get3A_167 : vector<16xf32>
        %get3A_169 = arith.constant 3 : i32
        %get3A_170 = arith.index_cast %scan3A_57 : i32 to index
        %get3A_171 = arith.index_cast %get3A_169 : i32 to index
        %get3A_172 = arith.constant 48 : index
        %get3A_173 = tpu.vector_load %arg4[%get3A_170, %get3A_171, %get3A_172] {strides = array<i32>} : memref<64x4x128xf32, #tpu.memory_space<vmem>>, vector<1x1x16xf32>,
        %get3A_174 = vector.shape_cast %get3A_173 : vector<1x1x16xf32> to vector<16xf32>
        %max3A_175 = arith.maximumf %max3A_168, %get3A_174 : vector<16xf32>
        %get3A_176 = arith.constant 0 : i32
        %get3A_177 = arith.index_cast %scan3A_57 : i32 to index
        %get3A_178 = arith.index_cast %get3A_176 : i32 to index
        %get3A_179 = arith.constant 64 : index
        %get3A_180 = tpu.vector_load %arg4[%get3A_177, %get3A_178, %get3A_179] {strides = array<i32>} : memref<64x4x128xf32, #tpu.memory_space<vmem>>, vector<1x1x16xf32>,
        %get3A_181 = vector.shape_cast %get3A_180 : vector<1x1x16xf32> to vector<16xf32>
        %max3A_182 = arith.maximumf %scan3A_62, %get3A_181 : vector<16xf32>
        %get3A_183 = arith.constant 1 : i32
        %get3A_184 = arith.index_cast %scan3A_57 : i32 to index
        %get3A_185 = arith.index_cast %get3A_183 : i32 to index
        %get3A_186 = arith.constant 64 : index
        %get3A_187 = tpu.vector_load %arg4[%get3A_184, %get3A_185, %get3A_186] {strides = array<i32>} : memref<64x4x128xf32, #tpu.memory_space<vmem>>, vector<1x1x16xf32>,
        %get3A_188 = vector.shape_cast %get3A_187 : vector<1x1x16xf32> to vector<16xf32>
        %max3A_189 = arith.maximumf %max3A_182, %get3A_188 : vector<16xf32>
        %get3A_190 = arith.constant 2 : i32
        %get3A_191 = arith.index_cast %scan3A_57 : i32 to index
        %get3A_192 = arith.index_cast %get3A_190 : i32 to index
        %get3A_193 = arith.constant 64 : index
        %get3A_194 = tpu.vector_load %arg4[%get3A_191, %get3A_192, %get3A_193] {strides = array<i32>} : memref<64x4x128xf32, #tpu.memory_space<vmem>>, vector<1x1x16xf32>,
        %get3A_195 = vector.shape_cast %get3A_194 : vector<1x1x16xf32> to vector<16xf32>
        %max3A_196 = arith.maximumf %max3A_189, %get3A_195 : vector<16xf32>
        %get3A_197 = arith.constant 3 : i32
        %get3A_198 = arith.index_cast %scan3A_57 : i32 to index
        %get3A_199 = arith.index_cast %get3A_197 : i32 to index
        %get3A_200 = arith.constant 64 : index
        %get3A_201 = tpu.vector_load %arg4[%get3A_198, %get3A_199, %get3A_200] {strides = array<i32>} : memref<64x4x128xf32, #tpu.memory_space<vmem>>, vector<1x1x16xf32>,
        %get3A_202 = vector.shape_cast %get3A_201 : vector<1x1x16xf32> to vector<16xf32>
        %max3A_203 = arith.maximumf %max3A_196, %get3A_202 : vector<16xf32>
        %get3A_204 = arith.constant 0 : i32
        %get3A_205 = arith.index_cast %scan3A_57 : i32 to index
        %get3A_206 = arith.index_cast %get3A_204 : i32 to index
        %get3A_207 = arith.constant 80 : index
        %get3A_208 = tpu.vector_load %arg4[%get3A_205, %get3A_206, %get3A_207] {strides = array<i32>} : memref<64x4x128xf32, #tpu.memory_space<vmem>>, vector<1x1x16xf32>,
        %get3A_209 = vector.shape_cast %get3A_208 : vector<1x1x16xf32> to vector<16xf32>
        %max3A_210 = arith.maximumf %scan3A_63, %get3A_209 : vector<16xf32>
        %get3A_211 = arith.constant 1 : i32
        %get3A_212 = arith.index_cast %scan3A_57 : i32 to index
        %get3A_213 = arith.index_cast %get3A_211 : i32 to index
        %get3A_214 = arith.constant 80 : index
        %get3A_215 = tpu.vector_load %arg4[%get3A_212, %get3A_213, %get3A_214] {strides = array<i32>} : memref<64x4x128xf32, #tpu.memory_space<vmem>>, vector<1x1x16xf32>,
        %get3A_216 = vector.shape_cast %get3A_215 : vector<1x1x16xf32> to vector<16xf32>
        %max3A_217 = arith.maximumf %max3A_210, %get3A_216 : vector<16xf32>
        %get3A_218 = arith.constant 2 : i32
        %get3A_219 = arith.index_cast %scan3A_57 : i32 to index
        %get3A_220 = arith.index_cast %get3A_218 : i32 to index
        %get3A_221 = arith.constant 80 : index
        %get3A_222 = tpu.vector_load %arg4[%get3A_219, %get3A_220, %get3A_221] {strides = array<i32>} : memref<64x4x128xf32, #tpu.memory_space<vmem>>, vector<1x1x16xf32>,
        %get3A_223 = vector.shape_cast %get3A_222 : vector<1x1x16xf32> to vector<16xf32>
        %max3A_224 = arith.maximumf %max3A_217, %get3A_223 : vector<16xf32>
        %get3A_225 = arith.constant 3 : i32
        %get3A_226 = arith.index_cast %scan3A_57 : i32 to index
        %get3A_227 = arith.index_cast %get3A_225 : i32 to index
        %get3A_228 = arith.constant 80 : index
        %get3A_229 = tpu.vector_load %arg4[%get3A_226, %get3A_227, %get3A_228] {strides = array<i32>} : memref<64x4x128xf32, #tpu.memory_space<vmem>>, vector<1x1x16xf32>,
        %get3A_230 = vector.shape_cast %get3A_229 : vector<1x1x16xf32> to vector<16xf32>
        %max3A_231 = arith.maximumf %max3A_224, %get3A_230 : vector<16xf32>
        %get3A_232 = arith.constant 0 : i32
        %get3A_233 = arith.index_cast %scan3A_57 : i32 to index
        %get3A_234 = arith.index_cast %get3A_232 : i32 to index
        %get3A_235 = arith.constant 96 : index
        %get3A_236 = tpu.vector_load %arg4[%get3A_233, %get3A_234, %get3A_235] {strides = array<i32>} : memref<64x4x128xf32, #tpu.memory_space<vmem>>, vector<1x1x16xf32>,
        %get3A_237 = vector.shape_cast %get3A_236 : vector<1x1x16xf32> to vector<16xf32>
        %max3A_238 = arith.maximumf %scan3A_64, %get3A_237 : vector<16xf32>
        %get3A_239 = arith.constant 1 : i32
        %get3A_240 = arith.index_cast %scan3A_57 : i32 to index
        %get3A_241 = arith.index_cast %get3A_239 : i32 to index
        %get3A_242 = arith.constant 96 : index
        %get3A_243 = tpu.vector_load %arg4[%get3A_240, %get3A_241, %get3A_242] {strides = array<i32>} : memref<64x4x128xf32, #tpu.memory_space<vmem>>, vector<1x1x16xf32>,
        %get3A_244 = vector.shape_cast %get3A_243 : vector<1x1x16xf32> to vector<16xf32>
        %max3A_245 = arith.maximumf %max3A_238, %get3A_244 : vector<16xf32>
        %get3A_246 = arith.constant 2 : i32
        %get3A_247 = arith.index_cast %scan3A_57 : i32 to index
        %get3A_248 = arith.index_cast %get3A_246 : i32 to index
        %get3A_249 = arith.constant 96 : index
        %get3A_250 = tpu.vector_load %arg4[%get3A_247, %get3A_248, %get3A_249] {strides = array<i32>} : memref<64x4x128xf32, #tpu.memory_space<vmem>>, vector<1x1x16xf32>,
        %get3A_251 = vector.shape_cast %get3A_250 : vector<1x1x16xf32> to vector<16xf32>
        %max3A_252 = arith.maximumf %max3A_245, %get3A_251 : vector<16xf32>
        %get3A_253 = arith.constant 3 : i32
        %get3A_254 = arith.index_cast %scan3A_57 : i32 to index
        %get3A_255 = arith.index_cast %get3A_253 : i32 to index
        %get3A_256 = arith.constant 96 : index
        %get3A_257 = tpu.vector_load %arg4[%get3A_254, %get3A_255, %get3A_256] {strides = array<i32>} : memref<64x4x128xf32, #tpu.memory_space<vmem>>, vector<1x1x16xf32>,
        %get3A_258 = vector.shape_cast %get3A_257 : vector<1x1x16xf32> to vector<16xf32>
        %max3A_259 = arith.maximumf %max3A_252, %get3A_258 : vector<16xf32>
        %get3A_260 = arith.constant 0 : i32
        %get3A_261 = arith.index_cast %scan3A_57 : i32 to index
        %get3A_262 = arith.index_cast %get3A_260 : i32 to index
        %get3A_263 = arith.constant 112 : index
        %get3A_264 = tpu.vector_load %arg4[%get3A_261, %get3A_262, %get3A_263] {strides = array<i32>} : memref<64x4x128xf32, #tpu.memory_space<vmem>>, vector<1x1x16xf32>,
        %get3A_265 = vector.shape_cast %get3A_264 : vector<1x1x16xf32> to vector<16xf32>
        %max3A_266 = arith.maximumf %scan3A_65, %get3A_265 : vector<16xf32>
        %get3A_267 = arith.constant 1 : i32
        %get3A_268 = arith.index_cast %scan3A_57 : i32 to index
        %get3A_269 = arith.index_cast %get3A_267 : i32 to index
        %get3A_270 = arith.constant 112 : index
        %get3A_271 = tpu.vector_load %arg4[%get3A_268, %get3A_269, %get3A_270] {strides = array<i32>} : memref<64x4x128xf32, #tpu.memory_space<vmem>>, vector<1x1x16xf32>,
        %get3A_272 = vector.shape_cast %get3A_271 : vector<1x1x16xf32> to vector<16xf32>
        %max3A_273 = arith.maximumf %max3A_266, %get3A_272 : vector<16xf32>
        %get3A_274 = arith.constant 2 : i32
        %get3A_275 = arith.index_cast %scan3A_57 : i32 to index
        %get3A_276 = arith.index_cast %get3A_274 : i32 to index
        %get3A_277 = arith.constant 112 : index
        %get3A_278 = tpu.vector_load %arg4[%get3A_275, %get3A_276, %get3A_277] {strides = array<i32>} : memref<64x4x128xf32, #tpu.memory_space<vmem>>, vector<1x1x16xf32>,
        %get3A_279 = vector.shape_cast %get3A_278 : vector<1x1x16xf32> to vector<16xf32>
        %max3A_280 = arith.maximumf %max3A_273, %get3A_279 : vector<16xf32>
        %get3A_281 = arith.constant 3 : i32
        %get3A_282 = arith.index_cast %scan3A_57 : i32 to index
        %get3A_283 = arith.index_cast %get3A_281 : i32 to index
        %get3A_284 = arith.constant 112 : index
        %get3A_285 = tpu.vector_load %arg4[%get3A_282, %get3A_283, %get3A_284] {strides = array<i32>} : memref<64x4x128xf32, #tpu.memory_space<vmem>>, vector<1x1x16xf32>,
        %get3A_286 = vector.shape_cast %get3A_285 : vector<1x1x16xf32> to vector<16xf32>
        %max3A_287 = arith.maximumf %max3A_280, %get3A_286 : vector<16xf32>
        scf.yield %max3A_91, %max3A_119, %max3A_147, %max3A_175, %max3A_203, %max3A_231, %max3A_259, %max3A_287 : vector<16xf32>, vector<16xf32>, vector<16xf32>, vector<16xf32>, vector<16xf32>, vector<16xf32>, vector<16xf32>, vector<16xf32>
      }
      %scan3A_56 = arith.constant 64 : i32
      scf.yield %scan3A_55#0, %scan3A_55#1, %scan3A_55#2, %scan3A_55#3, %scan3A_55#4, %scan3A_55#5, %scan3A_55#6, %scan3A_55#7 : vector<16xf32>, vector<16xf32>, vector<16xf32>, vector<16xf32>, vector<16xf32>, vector<16xf32>, vector<16xf32>, vector<16xf32>
    }
    %scan3A_8 = arith.constant 32 : i32
    %swap3A = arith.constant 0 : index
    %swap3A_9 = tpu.vector_load %arg5[%swap3A] {strides = array<i32>} : memref<128xf32, #tpu.memory_space<vmem>>, vector<16xf32>,
    %swap3A_10 = vector.shape_cast %swap3A_9 : vector<16xf32> to vector<16xf32>
    %swap3A_11 = vector.shape_cast %scan3A_7#0 : vector<16xf32> to vector<16xf32>
    tpu.vector_store %arg5[%swap3A], %swap3A_11 {strides = array<i32>} : memref<128xf32, #tpu.memory_space<vmem>>, vector<16xf32>,
    %swap3A_12 = arith.constant 16 : index
    %swap3A_13 = tpu.vector_load %arg5[%swap3A_12] {strides = array<i32>} : memref<128xf32, #tpu.memory_space<vmem>>, vector<16xf32>,
    %swap3A_14 = vector.shape_cast %swap3A_13 : vector<16xf32> to vector<16xf32>
    %swap3A_15 = vector.shape_cast %scan3A_7#1 : vector<16xf32> to vector<16xf32>
    tpu.vector_store %arg5[%swap3A_12], %swap3A_15 {strides = array<i32>} : memref<128xf32, #tpu.memory_space<vmem>>, vector<16xf32>,
    %swap3A_16 = arith.constant 32 : index
    %swap3A_17 = tpu.vector_load %arg5[%swap3A_16] {strides = array<i32>} : memref<128xf32, #tpu.memory_space<vmem>>, vector<16xf32>,
    %swap3A_18 = vector.shape_cast %swap3A_17 : vector<16xf32> to vector<16xf32>
    %swap3A_19 = vector.shape_cast %scan3A_7#2 : vector<16xf32> to vector<16xf32>
    tpu.vector_store %arg5[%swap3A_16], %swap3A_19 {strides = array<i32>} : memref<128xf32, #tpu.memory_space<vmem>>, vector<16xf32>,
    %swap3A_20 = arith.constant 48 : index
    %swap3A_21 = tpu.vector_load %arg5[%swap3A_20] {strides = array<i32>} : memref<128xf32, #tpu.memory_space<vmem>>, vector<16xf32>,
    %swap3A_22 = vector.shape_cast %swap3A_21 : vector<16xf32> to vector<16xf32>
    %swap3A_23 = vector.shape_cast %scan3A_7#3 : vector<16xf32> to vector<16xf32>
    tpu.vector_store %arg5[%swap3A_20], %swap3A_23 {strides = array<i32>} : memref<128xf32, #tpu.memory_space<vmem>>, vector<16xf32>,
    %swap3A_24 = arith.constant 64 : index
    %swap3A_25 = tpu.vector_load %arg5[%swap3A_24] {strides = array<i32>} : memref<128xf32, #tpu.memory_space<vmem>>, vector<16xf32>,
    %swap3A_26 = vector.shape_cast %swap3A_25 : vector<16xf32> to vector<16xf32>
    %swap3A_27 = vector.shape_cast %scan3A_7#4 : vector<16xf32> to vector<16xf32>
    tpu.vector_store %arg5[%swap3A_24], %swap3A_27 {strides = array<i32>} : memref<128xf32, #tpu.memory_space<vmem>>, vector<16xf32>,
    %swap3A_28 = arith.constant 80 : index
    %swap3A_29 = tpu.vector_load %arg5[%swap3A_28] {strides = array<i32>} : memref<128xf32, #tpu.memory_space<vmem>>, vector<16xf32>,
    %swap3A_30 = vector.shape_cast %swap3A_29 : vector<16xf32> to vector<16xf32>
    %swap3A_31 = vector.shape_cast %scan3A_7#5 : vector<16xf32> to vector<16xf32>
    tpu.vector_store %arg5[%swap3A_28], %swap3A_31 {strides = array<i32>} : memref<128xf32, #tpu.memory_space<vmem>>, vector<16xf32>,
    %swap3A_32 = arith.constant 96 : index
    %swap3A_33 = tpu.vector_load %arg5[%swap3A_32] {strides = array<i32>} : memref<128xf32, #tpu.memory_space<vmem>>, vector<16xf32>,
    %swap3A_34 = vector.shape_cast %swap3A_33 : vector<16xf32> to vector<16xf32>
    %swap3A_35 = vector.shape_cast %scan3A_7#6 : vector<16xf32> to vector<16xf32>
    tpu.vector_store %arg5[%swap3A_32], %swap3A_35 {strides = array<i32>} : memref<128xf32, #tpu.memory_space<vmem>>, vector<16xf32>,
    %swap3A_36 = arith.constant 112 : index
    %swap3A_37 = tpu.vector_load %arg5[%swap3A_36] {strides = array<i32>} : memref<128xf32, #tpu.memory_space<vmem>>, vector<16xf32>,
    %swap3A_38 = vector.shape_cast %swap3A_37 : vector<16xf32> to vector<16xf32>
    %swap3A_39 = vector.shape_cast %scan3A_7#7 : vector<16xf32> to vector<16xf32>
    tpu.vector_store %arg5[%swap3A_36], %swap3A_39 {strides = array<i32>} : memref<128xf32, #tpu.memory_space<vmem>>, vector<16xf32>,
    "tpu.region"() ({
      %run_scoped3A = tpu.sem_alloc : memref<!tpu.dma_semaphore, #tpu.memory_space<semaphore_mem>>
      %dma_start3A = tpu.memref_slice %arg3[%mul3A_2] : memref<4096xf32, #tpu.memory_space<hbm>> -> memref<128xf32, #tpu.memory_space<hbm>>
      %dma_start3A_40 = tpu.memref_slice %arg3[%mul3A_2] : memref<4096xf32, #tpu.memory_space<hbm>> -> memref<128xf32, #tpu.memory_space<hbm>>
      tpu.enqueue_dma source(%arg5 : memref<128xf32, #tpu.memory_space<vmem>>) target(%dma_start3A_40 : memref<128xf32, #tpu.memory_space<hbm>>) target_semaphore(%run_scoped3A : memref<!tpu.dma_semaphore, #tpu.memory_space<semaphore_mem>>)
      %dma_wait3A = tpu.memref_slice %arg3[%mul3A_2] : memref<4096xf32, #tpu.memory_space<hbm>> -> memref<128xf32, #tpu.memory_space<hbm>>
      %dma_wait3A_41 = tpu.memref_slice %arg3[%mul3A_2] : memref<4096xf32, #tpu.memory_space<hbm>> -> memref<128xf32, #tpu.memory_space<hbm>>
      tpu.wait_dma2 semaphore(%run_scoped3A : memref<!tpu.dma_semaphore, #tpu.memory_space<semaphore_mem>>) src(%arg5 : memref<128xf32, #tpu.memory_space<vmem>>) dst(%dma_wait3A_41 : memref<128xf32, #tpu.memory_space<hbm>>)
      tpu.yield
    }) : () -> ()
    return
  }
}

module attributes {stable_mosaic.version = 14 : i64} {
  func.func @_tc_reduce_u(%arg0: i32, %arg1: memref<128x4x4096xf32, #tpu.memory_space<vmem>>, %arg2: memref<1x4096xf32, #tpu.memory_space<vmem>>) attributes {dimension_semantics = [#tpu.dimension_semantics<arbitrary>], iteration_bounds = array<i64: 16>, scalar_prefetch = 0 : i64, scratch_operands = 0 : i64, tpu.core_type = #tpu.core_type<tc>, window_params = [{transform_indices = @transform_0, window_bounds = array<i64: 128, 4, 4096>}, {pipeline_mode = #tpu.pipeline_mode<synchronous>, transform_indices = @transform_1, window_bounds = array<i64: 1, 4096>}]} {
    %get3A = arith.constant 0 : index
    %get3A_0 = arith.constant 0 : index
    %get3A_1 = arith.constant 0 : index
    %get3A_2 = vector.load %arg1[%get3A, %get3A_0, %get3A_1] : memref<128x4x4096xf32, #tpu.memory_space<vmem>>, vector<128x4x4096xf32>
    %reduce_max3A = arith.constant dense<0xFF800000> : vector<4096xf32>
    %reduce_max3A_3 = vector.multi_reduction <maximumf>, %get3A_2, %reduce_max3A [0, 1] : vector<128x4x4096xf32> to vector<4096xf32>
    %reshape3A = vector.shape_cast %reduce_max3A_3 : vector<4096xf32> to vector<1x4096xf32>
    %eq3A = arith.constant 0 : i32
    %eq3A_4 = arith.cmpi eq, %arg0, %eq3A : i32
    %convert_element_type3A = arith.extui %eq3A_4 : i1 to i32
    %cond3A = arith.constant 0 : i32
    %cond3A_5 = arith.cmpi ne, %convert_element_type3A, %cond3A : i32
    scf.if %cond3A_5 {
      %swap3A = arith.constant 0 : index
      %swap3A_10 = arith.constant 0 : index
      %swap3A_11 = vector.load %arg2[%swap3A, %swap3A_10] : memref<1x4096xf32, #tpu.memory_space<vmem>>, vector<1x4096xf32>
      tpu.vector_store %arg2[%swap3A, %swap3A_10], %reshape3A {strides = array<i32>} : memref<1x4096xf32, #tpu.memory_space<vmem>>, vector<1x4096xf32>,
    } else {
    }
    %gt3A = arith.constant 0 : i32
    %gt3A_6 = arith.cmpi sgt, %arg0, %gt3A : i32
    %convert_element_type3A_7 = arith.extui %gt3A_6 : i1 to i32
    %cond3A_8 = arith.constant 0 : i32
    %cond3A_9 = arith.cmpi ne, %convert_element_type3A_7, %cond3A_8 : i32
    scf.if %cond3A_9 {
      %get3A_10 = arith.constant 0 : index
      %get3A_11 = arith.constant 0 : index
      %get3A_12 = vector.load %arg2[%get3A_10, %get3A_11] : memref<1x4096xf32, #tpu.memory_space<vmem>>, vector<1x4096xf32>
      %max3A = arith.maximumf %get3A_12, %reshape3A : vector<1x4096xf32>
      %swap3A = arith.constant 0 : index
      %swap3A_13 = arith.constant 0 : index
      %swap3A_14 = vector.load %arg2[%swap3A, %swap3A_13] : memref<1x4096xf32, #tpu.memory_space<vmem>>, vector<1x4096xf32>
      tpu.vector_store %arg2[%swap3A, %swap3A_13], %max3A {strides = array<i32>} : memref<1x4096xf32, #tpu.memory_space<vmem>>, vector<1x4096xf32>,
    } else {
    }
    return
  }
  func.func @transform_0(%arg0: i32) -> (i32, i32, i32) {
    %c0_i32 = arith.constant 0 : i32
    %c0_i32_0 = arith.constant 0 : i32
    %c0_i32_1 = arith.constant 0 : i32
    return %arg0, %c0_i32, %c0_i32_0 : i32, i32, i32
  }
  func.func @transform_1(%arg0: i32) -> (i32, i32) {
    %c0_i32 = arith.constant 0 : i32
    %c0_i32_0 = arith.constant 0 : i32
    %c0_i32_1 = arith.constant 0 : i32
    return %c0_i32, %c0_i32_0 : i32, i32
  }
}

module attributes {stable_mosaic.version = 14 : i64} {
  func.func @_tc_outer(%arg0: i32, %arg1: memref<1x4096xf32, #tpu.memory_space<vmem>>, %arg2: memref<1x4096xf32, #tpu.memory_space<vmem>>, %arg3: memref<1x256x4096xf32, #tpu.memory_space<vmem>>, %arg4: memref<8x4096xf32, #tpu.memory_space<vmem>>, %arg5: memref<4096x8xf32, #tpu.memory_space<vmem>>) attributes {dimension_semantics = [#tpu.dimension_semantics<arbitrary>], iteration_bounds = array<i64: 32>, scalar_prefetch = 0 : i64, scratch_operands = 2 : i64, tpu.core_type = #tpu.core_type<tc>, window_params = [{pipeline_mode = #tpu.pipeline_mode<synchronous>, transform_indices = @transform_0, window_bounds = array<i64: 1, 4096>}, {pipeline_mode = #tpu.pipeline_mode<synchronous>, transform_indices = @transform_1, window_bounds = array<i64: 1, 4096>}, {transform_indices = @transform_2, window_bounds = array<i64: 1, 256, 4096>}]} {
    %eq3A = arith.constant 0 : i32
    %eq3A_0 = arith.cmpi eq, %arg0, %eq3A : i32
    %convert_element_type3A = arith.extui %eq3A_0 : i1 to i32
    %cond3A = arith.constant 0 : i32
    %cond3A_1 = arith.cmpi ne, %convert_element_type3A, %cond3A : i32
    scf.if %cond3A_1 {
      %get3A_50 = arith.constant 0 : index
      %get3A_51 = arith.constant 0 : index
      %get3A_52 = vector.load %arg1[%get3A_50, %get3A_51] : memref<1x4096xf32, #tpu.memory_space<vmem>>, vector<1x4096xf32>
      %swap3A_53 = arith.constant 0 : index
      %swap3A_54 = arith.constant 0 : index
      %swap3A_55 = vector.load %arg4[%swap3A_53, %swap3A_54] : memref<8x4096xf32, #tpu.memory_space<vmem>>, vector<1x4096xf32>
      tpu.vector_store %arg4[%swap3A_53, %swap3A_54], %get3A_52 {strides = array<i32>} : memref<8x4096xf32, #tpu.memory_space<vmem>>, vector<1x4096xf32>,
      %get3A_56 = arith.constant 0 : index
      %get3A_57 = arith.constant 0 : index
      %get3A_58 = vector.load %arg2[%get3A_56, %get3A_57] : memref<1x4096xf32, #tpu.memory_space<vmem>>, vector<1x4096xf32>
      %swap3A_59 = arith.constant 1 : index
      %swap3A_60 = arith.constant 0 : index
      %swap3A_61 = vector.load %arg4[%swap3A_59, %swap3A_60] : memref<8x4096xf32, #tpu.memory_space<vmem>>, vector<1x4096xf32>
      tpu.vector_store %arg4[%swap3A_59, %swap3A_60], %get3A_58 {strides = array<i32>} : memref<8x4096xf32, #tpu.memory_space<vmem>>, vector<1x4096xf32>,
      %broadcast_in_dim3A = arith.constant 0.000000e+00 : f32
      %broadcast_in_dim3A_62 = vector.broadcast %broadcast_in_dim3A : f32 to vector<6x4096xf32>
      %swap3A_63 = arith.constant 2 : index
      %swap3A_64 = arith.constant 0 : index
      %swap3A_65 = vector.load %arg4[%swap3A_63, %swap3A_64] : memref<8x4096xf32, #tpu.memory_space<vmem>>, vector<6x4096xf32>
      tpu.vector_store %arg4[%swap3A_63, %swap3A_64], %broadcast_in_dim3A_62 {strides = array<i32>} : memref<8x4096xf32, #tpu.memory_space<vmem>>, vector<6x4096xf32>,
      %get3A_66 = arith.constant 0 : index
      %get3A_67 = arith.constant 0 : index
      %get3A_68 = vector.load %arg4[%get3A_66, %get3A_67] : memref<8x4096xf32, #tpu.memory_space<vmem>>, vector<8x4096xf32>
      %transpose3A = tpu.transpose %get3A_68, [1, 0] : vector<8x4096xf32> -> vector<4096x8xf32>
      %swap3A_69 = arith.constant 0 : index
      %swap3A_70 = arith.constant 0 : index
      %swap3A_71 = vector.load %arg5[%swap3A_69, %swap3A_70] : memref<4096x8xf32, #tpu.memory_space<vmem>>, vector<4096x8xf32>
      tpu.vector_store %arg5[%swap3A_69, %swap3A_70], %transpose3A {strides = array<i32>} : memref<4096x8xf32, #tpu.memory_space<vmem>>, vector<4096x8xf32>,
    } else {
    }
    %jit3A = arith.constant 16 : i32
    %div3A = arith.divsi %arg0, %jit3A : i32
    %sign3A = arith.constant 0 : i32
    %sign3A_2 = arith.cmpi sgt, %arg0, %sign3A : i32
    %sign3A_3 = arith.extui %sign3A_2 : i1 to i32
    %sign3A_4 = arith.constant 0 : i32
    %sign3A_5 = arith.cmpi slt, %arg0, %sign3A_4 : i32
    %sign3A_6 = arith.extui %sign3A_5 : i1 to i32
    %sign3A_7 = arith.subi %sign3A_3, %sign3A_6 : i32
    %sign3A_8 = arith.constant 0 : i32
    %sign3A_9 = arith.cmpi sgt, %jit3A, %sign3A_8 : i32
    %sign3A_10 = arith.extui %sign3A_9 : i1 to i32
    %sign3A_11 = arith.constant 0 : i32
    %sign3A_12 = arith.cmpi slt, %jit3A, %sign3A_11 : i32
    %sign3A_13 = arith.extui %sign3A_12 : i1 to i32
    %sign3A_14 = arith.subi %sign3A_10, %sign3A_13 : i32
    %ne3A = arith.cmpi ne, %sign3A_7, %sign3A_14 : i32
    %rem3A = arith.remsi %arg0, %jit3A : i32
    %ne3A_15 = arith.constant 0 : i32
    %ne3A_16 = arith.cmpi ne, %rem3A, %ne3A_15 : i32
    %and3A = arith.andi %ne3A, %ne3A_16 : i1
    %sub3A = arith.constant 1 : i32
    %sub3A_17 = arith.subi %div3A, %sub3A : i32
    %select_n3A = arith.select %and3A, %sub3A_17, %div3A : i32
    %jit3A_18 = arith.constant 16 : i32
    %eq3A_19 = arith.constant 0 : i32
    %eq3A_20 = arith.cmpi eq, %jit3A_18, %eq3A_19 : i32
    %jit3A_21 = arith.constant 1 : i32
    %select_n3A_22 = arith.select %eq3A_20, %jit3A_21, %jit3A_18 : i32
    %rem3A_23 = arith.remsi %arg0, %select_n3A_22 : i32
    %ne3A_24 = arith.constant 0 : i32
    %ne3A_25 = arith.cmpi ne, %rem3A_23, %ne3A_24 : i32
    %lt3A = arith.constant 0 : i32
    %lt3A_26 = arith.cmpi slt, %rem3A_23, %lt3A : i32
    %lt3A_27 = arith.constant 0 : i32
    %lt3A_28 = arith.cmpi slt, %select_n3A_22, %lt3A_27 : i32
    %ne3A_29 = arith.xori %lt3A_26, %lt3A_28 : i1
    %and3A_30 = arith.andi %ne3A_29, %ne3A_25 : i1
    %add3A = arith.addi %rem3A_23, %select_n3A_22 : i32
    %select_n3A_31 = arith.select %and3A_30, %add3A, %rem3A_23 : i32
    %get3A = arith.index_cast %select_n3A : i32 to index
    %get3A_32 = arith.constant 0 : index
    %get3A_33 = vector.load %arg4[%get3A, %get3A_32] : memref<8x4096xf32, #tpu.memory_space<vmem>>, vector<1x4096xf32>
    %mul3A = arith.constant 256 : i32
    %mul3A_34 = arith.muli %select_n3A_31, %mul3A : i32
    %get3A_35 = arith.index_cast %mul3A_34 : i32 to index
    %get3A_36 = arith.constant 0 : index
    %get3A_37 = vector.load %arg5[%get3A_35, %get3A_36] : memref<4096x8xf32, #tpu.memory_space<vmem>>, vector<256x8xf32>
    %eq3A_38 = arith.constant 0 : i32
    %eq3A_39 = arith.cmpi eq, %select_n3A, %eq3A_38 : i32
    %slice3A = vector.extract_strided_slice %get3A_37 {offsets = [0, 0], sizes = [256, 1], strides = [1, 1]} : vector<256x8xf32> to vector<256x1xf32>
    %slice3A_40 = vector.extract_strided_slice %get3A_37 {offsets = [0, 1], sizes = [256, 1], strides = [1, 1]} : vector<256x8xf32> to vector<256x1xf32>
    %select_n3A_41 = arith.select %eq3A_39, %slice3A, %slice3A_40 : vector<256x1xf32>
    %mul3A_42 = vector.broadcast %select_n3A_41 : vector<256x1xf32> to vector<256x4096xf32>
    %mul3A_43 = vector.broadcast %get3A_33 : vector<1x4096xf32> to vector<256x4096xf32>
    %mul3A_44 = arith.mulf %mul3A_42, %mul3A_43 : vector<256x4096xf32>
    %swap3A = arith.constant 0 : index
    %swap3A_45 = arith.constant 0 : index
    %swap3A_46 = arith.constant 0 : index
    %swap3A_47 = vector.load %arg3[%swap3A, %swap3A_45, %swap3A_46] : memref<1x256x4096xf32, #tpu.memory_space<vmem>>, vector<1x256x4096xf32>
    %swap3A_48 = vector.shape_cast %swap3A_47 : vector<1x256x4096xf32> to vector<256x4096xf32>
    %swap3A_49 = vector.shape_cast %mul3A_44 : vector<256x4096xf32> to vector<1x256x4096xf32>
    tpu.vector_store %arg3[%swap3A, %swap3A_45, %swap3A_46], %swap3A_49 {strides = array<i32>} : memref<1x256x4096xf32, #tpu.memory_space<vmem>>, vector<1x256x4096xf32>,
    return
  }
  func.func @transform_0(%arg0: i32) -> (i32, i32) {
    %c0_i32 = arith.constant 0 : i32
    %c0_i32_0 = arith.constant 0 : i32
    %c0_i32_1 = arith.constant 0 : i32
    return %c0_i32, %c0_i32_0 : i32, i32
  }
  func.func @transform_1(%arg0: i32) -> (i32, i32) {
    %c0_i32 = arith.constant 0 : i32
    %c0_i32_0 = arith.constant 0 : i32
    %c0_i32_1 = arith.constant 0 : i32
    return %c0_i32, %c0_i32_0 : i32, i32
  }
  func.func @transform_2(%arg0: i32) -> (i32, i32, i32) {
    %jit3A = arith.constant 16 : i32
    %div3A = arith.divsi %arg0, %jit3A : i32
    %sign3A = arith.constant 0 : i32
    %sign3A_0 = arith.cmpi sgt, %arg0, %sign3A : i32
    %sign3A_1 = arith.extui %sign3A_0 : i1 to i32
    %sign3A_2 = arith.constant 0 : i32
    %sign3A_3 = arith.cmpi slt, %arg0, %sign3A_2 : i32
    %sign3A_4 = arith.extui %sign3A_3 : i1 to i32
    %sign3A_5 = arith.subi %sign3A_1, %sign3A_4 : i32
    %sign3A_6 = arith.constant 0 : i32
    %sign3A_7 = arith.cmpi sgt, %jit3A, %sign3A_6 : i32
    %sign3A_8 = arith.extui %sign3A_7 : i1 to i32
    %sign3A_9 = arith.constant 0 : i32
    %sign3A_10 = arith.cmpi slt, %jit3A, %sign3A_9 : i32
    %sign3A_11 = arith.extui %sign3A_10 : i1 to i32
    %sign3A_12 = arith.subi %sign3A_8, %sign3A_11 : i32
    %ne3A = arith.cmpi ne, %sign3A_5, %sign3A_12 : i32
    %rem3A = arith.remsi %arg0, %jit3A : i32
    %ne3A_13 = arith.constant 0 : i32
    %ne3A_14 = arith.cmpi ne, %rem3A, %ne3A_13 : i32
    %and3A = arith.andi %ne3A, %ne3A_14 : i1
    %sub3A = arith.constant 1 : i32
    %sub3A_15 = arith.subi %div3A, %sub3A : i32
    %select_n3A = arith.select %and3A, %sub3A_15, %div3A : i32
    %jit3A_16 = arith.constant 16 : i32
    %eq3A = arith.constant 0 : i32
    %eq3A_17 = arith.cmpi eq, %jit3A_16, %eq3A : i32
    %jit3A_18 = arith.constant 1 : i32
    %select_n3A_19 = arith.select %eq3A_17, %jit3A_18, %jit3A_16 : i32
    %rem3A_20 = arith.remsi %arg0, %select_n3A_19 : i32
    %ne3A_21 = arith.constant 0 : i32
    %ne3A_22 = arith.cmpi ne, %rem3A_20, %ne3A_21 : i32
    %lt3A = arith.constant 0 : i32
    %lt3A_23 = arith.cmpi slt, %rem3A_20, %lt3A : i32
    %lt3A_24 = arith.constant 0 : i32
    %lt3A_25 = arith.cmpi slt, %select_n3A_19, %lt3A_24 : i32
    %ne3A_26 = arith.xori %lt3A_23, %lt3A_25 : i1
    %and3A_27 = arith.andi %ne3A_26, %ne3A_22 : i1
    %add3A = arith.addi %rem3A_20, %select_n3A_19 : i32
    %select_n3A_28 = arith.select %and3A_27, %add3A, %rem3A_20 : i32
    %c0_i32 = arith.constant 0 : i32
    %c0_i32_29 = arith.constant 0 : i32
    return %select_n3A, %select_n3A_28, %c0_i32 : i32, i32, i32
  }
}

</mosaic_0001>

<sc_bundles>
// kernel: kernel.5.cloned.1.call-start
scs
__scs_entry_jumppad:
0x0: {  	(pc) =	sbr.rel $0x88, $3  }
0x1: {  	(tag) =	ssettag $0x0;
	lr =	simm.s32 $0x1  }
0x2: {  	[smem:$0x3F9D] =	sst lr;
	_ =	strace $0xD0000000  }
0x3: {  	_ = 	snop  }
0x4: {  	_ = 	snop  }
0x5: {  	_ = 	snop  }
0x6: {  	_ = 	snop  }
0x7: {  	_ = 	snop  }
__scs_overlays_trampoline_lowered:
0x8: {  	[smem:$0x3FAC] =	sst s0  }
0x9: {  	[smem:$0x3FAD] =	sst s1  }
0xa: {  	[smem:$0x3FAE] =	sst s2  }
0xb: {  	[smem:$0x3FAF] =	sst s3  }
0xc: {  	[smem:$0x3FB0] =	sst s4  }
0xd: {  	[smem:$0x3FB1] =	sst s5  }
0xe: {  	[smem:$0x3FB2] =	sst s6  }
0xf: {  	[smem:$0x3FB3] =	sst s7  }
0x10: {  	[smem:$0x3FB4] =	sst s8  }
0x11: {  	[smem:$0x3FB5] =	sst s9;
	s0 =	simm.s32 @!p0 $0x0  }
0x12: {  	s1 =	sld [smem:$0x3F9B];
	s0 =	simm.s32 @p0 $0x1  }
0x13: {  	[smem:$0x3FB6] =	sst s0;
	s0 =	simm.s32 @!p1 $0x0  }
0x14: {  	s2 =	sld [smem:$0x3F9A];
	s0 =	simm.s32 @p1 $0x1  }
0x15: {  	[smem:$0x3FB7] =	sst s0;
	s0 =	simm.s32 @!p2 $0x0  }
0x16: {  	s3 =	sld [smem:$0x3FDB];
	s0 =	simm.s32 @p2 $0x1  }
0x17: {  	s4 =	simm.s32 $0x1BF5;
	[smem:$0x3FB9] =	sst s0  }
0x18: {  	s0 =	sld [smem:$0x3F9C];
	_ =	swait.ge [sflag:s4], $0x0  }
0x19: {  	s7 =	sld [smem:$0x3F9D]  }
0x1a: {  	s8 =	sadd.s32 $0xFFFFE003, lr  }
0x1b: {  	s9 =	sadd.s32 $0xFFFFFEF7, lr;
	s5 =	simm.s32 $0xFFFFFFFF;
	p2 =	slt.u32 s8, $0xFFFFF086  }
0x1c: {  	p1 =	slt.u32 s9, $0xF7A;
	s5 =	simm.s32 @!p2 $0x0  }
0x1d: {  	s5 =	simm.s32 @p1 $0x1;
	p0 =	seq.s32 s7, s2  }
0x1e: {  	s7 =	smul.u32 @!p0 $0xF7A, s2;
	p2 =	seq.s32 @!p0 s5, $0x0  }
0x1f: {  	s9 =	smul.u32 $0xF7A, s1;
	s8 =	simm.s32 @!p0 $0x1BF5;
	p2 =	por !p2, p0  }
0x20: {  	[sflag:s8] =	ssyncset.s32 @!p0 $0xFFFFF086;
	s6 =	sadd.s32 @!p0 s3, s7;
	s7 =	simm.s32 @!p0 $0x108  }
0x21: {  	s3 =	sadd.s32 s3, s9;
	s6 =	sadd.s32 @!p0 $0x88, s6;
	s7 =	simm.s32 @p2 $0x1082  }
0x22: {  	[simem:s7], [sflag:s8] =	dma.local @!p0 [hbm:s6], $0xF7A  }
0x23: {  	s9 =	sor.u32 $0xD0000000, s2;
	s6 =	simm.s32 $0x108;
	_ =	swait.ge @!p0 [sflag:s8], $0x0  }
0x24: {  	s3 =	sadd.s32 $0x88, s3;
	s6 =	simm.s32 @!p1 $0x1082;
	[sflag:s4] =	ssyncset.s32 $0xFFFFF086  }
0x25: {  	[simem:s6], [sflag:s4] =	dma.local [hbm:s3], $0xF7A  }
0x26: {  	[smem:$0x3F9D] =	sst s1;
	(tag) =	ssettag s2;
	_ =	strace s9  }
0x27: {  	s1 =	sld [smem:$0x3FAD]  }
0x28: {  	s2 =	sld [smem:$0x3FAE]  }
0x29: {  	s4 =	sld [smem:$0x3FB0]  }
0x2a: {  	p0 =	seq.s32 s5, $0x0;
	s5 =	sld [smem:$0x3FB1]  }
0x2b: {  	s6 =	sld [smem:$0x3FB2]  }
0x2c: {  	s7 =	sld [smem:$0x3FB3]  }
0x2d: {  	s3 =	simm.s32 $0x108;
	s8 =	sld [smem:$0x3FB4]  }
0x2e: {  	s3 =	simm.s32 @!p0 $0x1082;
	s9 =	sld [smem:$0x3FB5]  }
0x2f: {  	lr =	sadd.s32 s0, s3;
	s0 =	sld [smem:$0x3FAC]  }
0x30: {  	s3 =	sld [smem:$0x3FAF]  }
0x31: {  	[smem:$0x3FB8] =	sst s10  }
0x32: {  	s10 =	sld [smem:$0x3FB6];
	_ =	sdelay $0x3  }
0x33: {  	p0 =	seq.s32 s10, $0x1;
	s10 =	sld [smem:$0x3FB8];
	_ =	sdelay $0x3  }
0x34: {  	[smem:$0x3FB8] =	sst s10  }
0x35: {  	s10 =	sld [smem:$0x3FB7];
	_ =	sdelay $0x3  }
0x36: {  	p1 =	seq.s32 s10, $0x1;
	s10 =	sld [smem:$0x3FB8];
	_ =	sdelay $0x3  }
0x37: {  	[smem:$0x3FB8] =	sst s10  }
0x38: {  	s10 =	sld [smem:$0x3FB9]  }
0x39: {  	_ = 	snop;
	(pc) =	sbr.ind lr, $3  }
0x3a: {  	_ = 	snop  }
0x3b: {  	_ = 	snop  }
0x3c: {  	p2 =	seq.s32 s10, $0x1;
	s10 =	sld [smem:$0x3FB8]  }
0x3d: {  	_ =	shalt  }
0x3e: {  	_ =	shalt  }
0x3f: {  	_ =	shalt  }
0x40: {  	_ =	shalt  }
0x41: {  	_ =	shalt  }
0x42: {  	_ =	shalt  }
0x43: {  	_ =	shalt  }
0x44: {  	_ =	shalt  }
0x45: {  	_ =	shalt  }
0x46: {  	_ =	shalt  }
0x47: {  	_ =	shalt  }
0x48: {  	_ =	shalt  }
0x49: {  	_ =	shalt  }
0x4a: {  	_ =	shalt  }
0x4b: {  	_ =	shalt  }
0x4c: {  	_ =	shalt  }
0x4d: {  	_ =	shalt  }
0x4e: {  	_ =	shalt  }
0x4f: {  	_ =	shalt  }
0x50: {  	_ =	shalt  }
0x51: {  	_ =	shalt  }
0x52: {  	_ =	shalt  }
0x53: {  	_ =	shalt  }
0x54: {  	_ =	shalt  }
0x55: {  	_ =	shalt  }
0x56: {  	_ =	shalt  }
0x57: {  	_ =	shalt  }
0x58: {  	_ =	shalt  }
0x59: {  	_ =	shalt  }
0x5a: {  	_ =	shalt  }
0x5b: {  	_ =	shalt  }
0x5c: {  	_ =	shalt  }
0x5d: {  	_ =	shalt  }
0x5e: {  	_ =	shalt  }
0x5f: {  	_ =	shalt  }
0x60: {  	_ =	shalt  }
0x61: {  	_ =	shalt  }
0x62: {  	_ =	shalt  }
0x63: {  	_ =	shalt  }
0x64: {  	_ =	shalt  }
0x65: {  	_ =	shalt  }
0x66: {  	_ =	shalt  }
0x67: {  	_ =	shalt  }
0x68: {  	_ =	shalt  }
0x69: {  	_ =	shalt  }
0x6a: {  	_ =	shalt  }
0x6b: {  	_ =	shalt  }
0x6c: {  	_ =	shalt  }
0x6d: {  	_ =	shalt  }
0x6e: {  	_ =	shalt  }
0x6f: {  	_ =	shalt  }
0x70: {  	_ =	shalt  }
0x71: {  	_ =	shalt  }
0x72: {  	_ =	shalt  }
0x73: {  	_ =	shalt  }
0x74: {  	_ =	shalt  }
0x75: {  	_ =	shalt  }
0x76: {  	_ =	shalt  }
0x77: {  	_ =	shalt  }
0x78: {  	_ =	shalt  }
0x79: {  	_ =	shalt  }
0x7a: {  	_ =	shalt  }
0x7b: {  	_ =	shalt  }
0x7c: {  	_ =	shalt  }
0x7d: {  	_ =	shalt  }
0x7e: {  	_ =	shalt  }
0x7f: {  	_ =	shalt  }
0x80: {  	_ =	shalt  }
0x81: {  	_ =	shalt  }
0x82: {  	_ =	shalt  }
0x83: {  	_ =	shalt  }
0x84: {  	_ =	shalt  }
0x85: {  	_ =	shalt  }
0x86: {  	_ =	shalt  }
0x87: {  	_ =	shalt  }
.Lfunc_end0:
.L_simem_size_0:
called_computation_lowered:
.L_overlay_start_0:
0x88: {  	s2 =	sld [smem:$0x3FD9]  }
0x89: {  	s3 =	sld [smem:$0x3FFE];
	_ =	sdelay $0x1  }
0x8a: {  	s1 =	srdreg.scid  }
0x8b: {  	s0 =	sand.u32 $0x1, s1  }
0x8c: {  	s15 =	sshll.u32 s0, $0xA;
	s2 =	sadd.s32 s3, s2  }
0x8d: {  	s2 =	sadd.s32 s2, s15  }
0x8e: {  	[smem:$0x3FC4] =	sst s2  }
0x8f: {  	_ = 	snop  }
0x90: {  	s2 =	sld [smem:$0x3FD0];
	_ =	sdelay $0x2  }
0x91: {  	s4 =	simm.s32 $0xA;
	s5 =	simm.s32 $0x10;
	s16 =	sld [smem:$0x3FC8]  }
0x92: {  	[smem:s5], [sflag:s4] =	dma.local [hbm:s2], $0x1  }
0x93: {  	_ =	swait.eq [sflag:s4], $0x1  }
0x94: {  	[sflag:s4] =	ssyncset.done $0x0  }
0x95: {  	[sflag:s4] =	ssyncadd.s32 $0xFFFFFFFF  }
0x96: {  	s17 =	sld [smem:$0x11];
	(tm) =	ssettm $0x1  }
0x97: {  	s18 =	sld [smem:$0x3FFB];
	_ =	sdelay $0x3  }
0x98: {  	_ =	strace s18  }
0x99: {  	s4 =	sld [smem:$0x3FFC];
	_ =	sdelay $0x3  }
0x9a: {  	_ =	strace s4  }
0x9b: {  	s4 =	sld [smem:$0x3FFD];
	_ =	sdelay $0x3  }
0x9c: {  	_ =	strace s4  }
0x9d: {  	_ =	strace $0x8FFFFFFF  }
0x9e: {  	s19 =	sld [smem:$0x3FDB];
	_ =	sdelay $0x1  }
0x9f: {  	s20 =	simm.s32 $_scs_section_size  }
0xa0: {  	s6 =	simm.s32 $_size__tile_overlayer_lowered;
	s7 =	simm.s32 $_tile_overlayer_lowered  }
0xa1: {  	s23 =	simm.s32 $0x1BFF;
	s22 =	sshll.u32 s7, $0x1;
	s4 =	sadd.s32 s20, s19  }
0xa2: {  	s8 =	simm.s32 $0x0;
	s21 =	sshll.u32 s6, $0x1;
	s6 =	sadd.s32 s22, s4  }
0xa3: {  	[timem:s8], [sflag:s23] =	dma.local [hbm:s6], s21  }
0xa4: {  	_ =	swait.ge [sflag:s23], s21  }
0xa5: {  	s5 =	ssub.s32 $0x0, s21;
	[sflag:s23] =	ssyncset.done $0x0  }
0xa6: {  	[sflag:s23] =	ssyncadd.s32 s5;
	_ =	sdelay $0x1  }
0xa7: {  	s24 =	simm.s32 $0x1B8B  }
0xa8: {  	_ =	swait.ge [sflag:s24], $0x1  }
0xa9: {  	[sflag:s24] =	ssyncset.done $0x0  }
0xaa: {  	s25 =	simm.s32 $0x1B8E;
	[sflag:s24] =	ssyncadd.s32 $0xFFFFFFFF  }
0xab: {  	s26 =	simm.s32 $execute0_lowered;
	[smem:$0x3FD2] =	sst s25  }
0xac: {  	s5 =	sshll.u32 s26, $0x1;
	_ =	strace $0x80000046;
	[dreg:$0x1] =	wrdreg $0xFFFFFFFF  }
0xad: {  	s28 =	simm.s32 $_size_execute0_lowered;
	s4 =	sadd.s32 s4, s5;
	[dreg:$0x0] =	wrdreg $0x0  }
0xae: {  	s5 =	sshll.u32 s28, $0x1;
	[dreg:$0x2] =	wrdreg s4  }
0xaf: {  	[dreg:$0x3] =	wrdreg s5  }
0xb0: {  	[dreg:$0x4] =	wrdreg $0xC0  }
0xb1: {  	_ =	task [dreg:s8], $0x5FFFF  }
0xb2: {  	[dreg:$0x1] =	wrdreg $0xFFFFFFFF  }
0xb3: {  	[dreg:$0x0] =	wrdreg $0x60  }
0xb4: {  	[dreg:$0x2] =	wrdreg s16  }
0xb5: {  	[dreg:$0x3] =	wrdreg s17  }
0xb6: {  	[dreg:$0x4] =	wrdreg $0x9  }
0xb7: {  	_ =	task.clear_ibuf [dreg:s8], $0x5FFFF;
	_ =	strace $0x90000046  }
0xb8: {  	s29 =	simm.s32 $0x9;
	_ =	strace $0x80000048  }
0xb9: {  	_ =	swait.ge [sflag:s29], $0x1  }
0xba: {  	[sflag:s29] =	ssyncadd.s32 $0xFFFFFFFF  }
0xbb: {  	_ =	strace $0x90000048  }
0xbc: {  	_ =	sfence  }
0xbd: {  	s30 =	sld [smem:$0x0];
	_ =	sdelay $0x2  }
0xbe: {  	s31 =	sshll.u32 s1, $0xD;
	s1 =	sshrl.u32 s1, $0x2  }
0xbf: {  	s3 =	sand.u32 $0x4000, s31;
	s1 =	sadd.s32 s1, s30  }
0xc0: {  	s0 =	sor.u32 s3, s0;
	s1 =	sshll.u32 s1, $0x11  }
0xc1: {  	s0 =	sor.u32 s1, s0  }
0xc2: {  	s0 =	sadd.s32 $0x8F2B, s0  }
0xc3: {  	[sflag:s0] =	ssyncadd.remote.s32 $0x1  }
0xc4: {  	_ =	sfence.sel $0xFFFF  }
0xc5: {  	[dreg:$0x0] =	wrdreg $0xFFFFFFFF;
	(pc) =	sbr.abs _section_cstart, $3  }
0xc6: {  	[dreg:$0x1] =	wrdreg $0xFFFFFFFF  }
0xc7: {  	_ =	task.clear_ibuf [dreg:s8], $0x2FFFF;
	_ =	strace $0x9FFFFFFF  }
0xc8: {  	(tm) =	ssettm $0x7FFFFFFF  }
0xc9: {  	_ =	shalt  }
tec
execute0_lowered:
.L_overlay_start_1:
0x0: {  	(tag) =	ssettag $0x1  }
0x1: {  	s2 =	rddreg [dreg:$0x0]  }
0x2: {  	s5 =	rddreg [dreg:$0x1];
	s3 =	srdreg.scid  }
0x3: {  	s0 =	rddreg [dreg:$0x2];
	s1 =	stileid.u32;
	s9 =	simm.s32 $0x1  }
0x4: {  	s10 =	simm.s32 $0x8000;
	s11 =	simm.s32 $0x0;
	s4 =	sand.u32 $0x1, s3  }
0x5: {  	s3 =	simm.s32 $0x0;
	s6 =	sshll.u32 s1, $0x8;
	s7 =	sshll.u32 s4, $0x7  }
0x6: {  	[smem:$0x7FF] =	sst s3;
	s4 =	ssub.s32 $0x2, s4;
	s6 =	sor.u32 s7, s6  }
0x7: {  	_ =	strace $0x80000047;
	s31 =	sshrl.u32 s4, $0x1;
	s8 =	sshrl.u32 s6, $0x3  }
0x8: {  	s7 =	ssub.s32 s4, s31;
	s4 =	sshll.u32 s6, $0x2;
	s5 =	sadd.s32 s5, s8  }
0x9: {  	s6 =	smax.u32 s7, $0x1;
	s7 =	simm.s32 $0x200;
	s8 =	simm.s32 $0x4000  }
.LBB2_1:
0xa: {  	v0 =	vimm.f32 $0.0e+00;
	v1 =	vimm.f32 $0.0e+00  }
0xb: {  	v2 =	vimm.f32 $0.0e+00;
	v3 =	vimm.f32 $0.0e+00;
	v4 =	vimm.f32 $0.0e+00  }
0xc: {  	v5 =	vimm.f32 $0.0e+00;
	v20 =	vimm.f32 $0.0e+00;
	v21 =	vimm.f32 $0.0e+00;
	s12 =	simm.s32 $0x0  }
.LBB2_2:
0xd: {  	s13 =	sshll.u32 s12, $0x14  }
0xe: {  	s13 =	sor.u32 s4, s13  }
0xf: {  	s13 =	sshrl.u32 s13, $0x3  }
0x10: {  	s14 =	simm.s32 $0x0;
	s13 =	sadd.s32 s2, s13  }
0x11: {  	[tilespmem:s14], [sflag:$0x1] =	stream.strided.gather [hbm4b:s13+s7], $0x8000, s8, s7, $0x38;
	[tilespmem:$0x8080] =	vst v63  }
0x12: {  	_ =	swait.ge [sflag:s9], $0x8000  }
0x13: {  	[sflag:s9] =	ssyncset.done $0x0  }
0x14: {  	s13 =	simm.s32 $0x0;
	[sflag:s9] =	ssyncadd.s32 $0xFFFF8000  }
0x15: {  	v13 =	vld [tilespmem:s13+$0x180]  }
0x16: {  	v14 =	vld [tilespmem:s13+$0x190]  }
0x17: {  	v8 =	vld [tilespmem:s13+$0x1A0]  }
0x18: {  	v9 =	vld [tilespmem:s13+$0x1B0]  }
0x19: {  	v10 =	vld [tilespmem:s13+$0x1C0]  }
0x1a: {  	v6 =	vld [tilespmem:s13+$0x1D0]  }
0x1b: {  	v7 =	vld [tilespmem:s13+$0x1E0]  }
0x1c: {  	v26 =	vld [tilespmem:s13+$0x100]  }
0x1d: {  	v30 =	vld [tilespmem:s13+$0x110]  }
0x1e: {  	v15 =	vld [tilespmem:s13+$0x120]  }
0x1f: {  	v16 =	vld [tilespmem:s13+$0x130]  }
0x20: {  	v17 =	vld [tilespmem:s13+$0x140]  }
0x21: {  	v11 =	vld [tilespmem:s13+$0x150]  }
0x22: {  	v12 =	vld [tilespmem:s13+$0x160]  }
0x23: {  	v25 =	vld [tilespmem:s13+$0x80]  }
0x24: {  	v31 =	vld [tilespmem:s13+$0x90]  }
0x25: {  	v22 =	vld [tilespmem:s13+$0xA0]  }
0x26: {  	v23 =	vld [tilespmem:s13+$0xB0]  }
0x27: {  	v24 =	vld [tilespmem:s13+$0xC0]  }
0x28: {  	v19 =	vld [tilespmem:s13+$0x0]  }
0x29: {  	v32 =	vld [tilespmem:s13+$0x10]  }
0x2a: {  	v18 =	vld [tilespmem:s13+$0xD0]  }
0x2b: {  	v27 =	vld [tilespmem:s13+$0x20]  }
0x2c: {  	v28 =	vld [tilespmem:s13+$0x30]  }
0x2d: {  	v29 =	vld [tilespmem:s13+$0x40]  }
0x2e: {  	v21 =	vmax.f32 v21, v19;
	v20 =	vmax.f32 v20, v32;
	v19 =	vld [tilespmem:s13+$0xE0]  }
0x2f: {  	v21 =	vmax.f32 v21, v25;
	v31 =	vmax.f32 v20, v31;
	v25 =	vld [tilespmem:s13+$0x50]  }
0x30: {  	s14 =	simm.s32 $0x800;
	v20 =	vmax.f32 v21, v26;
	v30 =	vmax.f32 v31, v30;
	v26 =	vld [tilespmem:s13+$0x60]  }
.LBB2_3:
0x31: {  	p0 =	sne.s32 s14, $0x1F800;
	v20 =	vmax.f32 v20, v13;
	v21 =	vmax.f32 v30, v14;
	v30 =	vld [tilespmem:s13+$0x70]  }
0x32: {  	v5 =	vmax.f32 v5, v27;
	v4 =	vmax.f32 v4, v28;
	v3 =	vmax.f32 v3, v29;
	v27 =	vld [tilespmem:s13+$0xF0]  }
0x33: {  	v5 =	vmax.f32 v5, v22;
	v4 =	vmax.f32 v4, v23;
	v3 =	vmax.f32 v3, v24;
	v22 =	vld [tilespmem:s13+$0x170]  }
0x34: {  	v5 =	vmax.f32 v5, v15;
	v4 =	vmax.f32 v4, v16;
	v3 =	vmax.f32 v3, v17;
	v15 =	vld [tilespmem:s13+$0x1F0];
	s13 =	sshra.s32 s14, $0x2  }
0x35: {  	v5 =	vmax.f32 v5, v8;
	v4 =	vmax.f32 v4, v9;
	v13 =	vld [tilespmem:s13+$0x180];
	v3 =	vmax.f32 v3, v10  }
0x36: {  	v2 =	vmax.f32 v2, v25;
	v1 =	vmax.f32 v1, v26;
	v14 =	vld [tilespmem:s13+$0x190];
	v0 =	vmax.f32 v0, v30  }
0x37: {  	v2 =	vmax.f32 v2, v18;
	v1 =	vmax.f32 v1, v19;
	v8 =	vld [tilespmem:s13+$0x1A0];
	v0 =	vmax.f32 v0, v27  }
0x38: {  	v2 =	vmax.f32 v2, v11;
	v1 =	vmax.f32 v1, v12;
	v9 =	vld [tilespmem:s13+$0x1B0];
	v0 =	vmax.f32 v0, v22  }
0x39: {  	v2 =	vmax.f32 v2, v6;
	v1 =	vmax.f32 v1, v7;
	v10 =	vld [tilespmem:s13+$0x1C0];
	v0 =	vmax.f32 v0, v15  }
0x3a: {  	v6 =	vld [tilespmem:s13+$0x1D0]  }
0x3b: {  	v7 =	vld [tilespmem:s13+$0x1E0]  }
0x3c: {  	v26 =	vld [tilespmem:s13+$0x100]  }
0x3d: {  	v30 =	vld [tilespmem:s13+$0x110]  }
0x3e: {  	v15 =	vld [tilespmem:s13+$0x120]  }
0x3f: {  	v16 =	vld [tilespmem:s13+$0x130]  }
0x40: {  	v17 =	vld [tilespmem:s13+$0x140]  }
0x41: {  	v11 =	vld [tilespmem:s13+$0x150]  }
0x42: {  	v12 =	vld [tilespmem:s13+$0x160]  }
0x43: {  	v25 =	vld [tilespmem:s13+$0x80]  }
0x44: {  	v31 =	vld [tilespmem:s13+$0x90]  }
0x45: {  	v22 =	vld [tilespmem:s13+$0xA0]  }
0x46: {  	v23 =	vld [tilespmem:s13+$0xB0]  }
0x47: {  	v24 =	vld [tilespmem:s13+$0xC0]  }
0x48: {  	v19 =	vld [tilespmem:s13+$0x0]  }
0x49: {  	v32 =	vld [tilespmem:s13+$0x10]  }
0x4a: {  	v18 =	vld [tilespmem:s13+$0xD0]  }
0x4b: {  	v27 =	vld [tilespmem:s13+$0x20]  }
.Ltmp0:
0x4c: {  	v28 =	vld [tilespmem:s13+$0x30];
	(pc) =	sbr.rel @p0 .LBB2_3-.Ltmp0, $4  }
0x4d: {  	v29 =	vld [tilespmem:s13+$0x40]  }
0x4e: {  	v20 =	vmax.f32 v20, v19;
	v21 =	vmax.f32 v21, v32;
	v19 =	vld [tilespmem:s13+$0xE0]  }
0x4f: {  	v20 =	vmax.f32 v20, v25;
	v21 =	vmax.f32 v21, v31;
	v25 =	vld [tilespmem:s13+$0x50]  }
0x50: {  	s14 =	sadd.s32 $0x800, s14;
	v20 =	vmax.f32 v20, v26;
	v30 =	vmax.f32 v21, v30;
	v26 =	vld [tilespmem:s13+$0x60]  }
0x51: {  	v21 =	vmax.f32 v20, v13;
	v20 =	vmax.f32 v30, v14;
	v61 =	vld [tilespmem:s13+$0x70]  }
0x52: {  	v5 =	vmax.f32 v5, v27;
	v4 =	vmax.f32 v4, v28;
	v62 =	vld [tilespmem:s13+$0xF0];
	v3 =	vmax.f32 v3, v29  }
0x53: {  	s12 =	sadd.s32 $0x1, s12;
	v5 =	vmax.f32 v5, v22;
	v4 =	vmax.f32 v4, v23;
	v22 =	vld [tilespmem:s13+$0x170];
	v3 =	vmax.f32 v3, v24  }
0x54: {  	v63 =	vld [tilespmem:s13+$0x1F0];
	p0 =	sne.s32 s12, $0x20;
	v5 =	vmax.f32 v5, v15;
	v4 =	vmax.f32 v4, v16;
	v3 =	vmax.f32 v3, v17  }
.Ltmp1:
0x55: {  	v5 =	vmax.f32 v5, v8;
	v4 =	vmax.f32 v4, v9;
	v2 =	vmax.f32 v2, v25;
	(pc) =	sbr.rel @p0 .LBB2_2-.Ltmp1, $4  }
0x56: {  	v3 =	vmax.f32 v3, v10;
	v1 =	vmax.f32 v1, v26;
	v0 =	vmax.f32 v0, v61  }
0x57: {  	v2 =	vmax.f32 v2, v18;
	v1 =	vmax.f32 v1, v19;
	v0 =	vmax.f32 v0, v62  }
0x58: {  	v2 =	vmax.f32 v2, v11;
	v1 =	vmax.f32 v1, v12;
	v0 =	vmax.f32 v0, v22  }
0x59: {  	v2 =	vmax.f32 v2, v6;
	v1 =	vmax.f32 v1, v7;
	v0 =	vmax.f32 v0, v63  }
0x5a: {  	[tilespmem:$0x8000] =	vst v21  }
0x5b: {  	[tilespmem:$0x8010] =	vst v20  }
0x5c: {  	[tilespmem:$0x8020] =	vst v5  }
0x5d: {  	[tilespmem:$0x8030] =	vst v4  }
0x5e: {  	[tilespmem:$0x8040] =	vst v3  }
0x5f: {  	[tilespmem:$0x8050] =	vst v2;
	s11 =	sadd.s32 $0x1, s11  }
0x60: {  	[tilespmem:$0x8060] =	vst v1;
	p0 =	sne.s32 s11, s6  }
.Ltmp2:
0x61: {  	[tilespmem:$0x8070] =	vst v0;
	(pc) =	sbr.rel @p0 .LBB2_1-.Ltmp2, $4  }
0x62: {  	[hbm4b:s5+s3] =	stream.linear.scatter [tilespmem:s10], [sflag:$0x1], $0x80, $0x38;
	[tilespmem:$0x8080] =	vst v63  }
0x63: {  	_ =	swait.ge [sflag:s9], $0x80  }
0x64: {  	[sflag:s9] =	ssyncset.done $0x0  }
0x65: {  	[sflag:s9] =	ssyncadd.s32 $0xFFFFFF80  }
0x66: {  	_ =	sfence.sel $0x180000  }
0x67: {  	[bflag:$0x0] =	sbarrier.arrive $0xFFFF  }
0x68: {  	p0 =	sne.s32 s1, $0x0;
	_ =	strace $0x90000047  }
0x69: {  	s0 =	sadd.s32 @!p0 $0x100000, s0;
	[bflag:$0x2] =	sbarrier.arrive $0xFFFF  }
0x6a: {  	[sflag:s0] =	ssyncadd.tile.s32 @!p0 $0x1;
	_ =	shalt  }
.Lfunc_end2:
_tile_overlayer_lowered:
.L_overlay_start_2:
0x6b: {  	(tag) =	ssettag $0x2  }
0x6c: {  	s0 =	rddreg [dreg:$0x0];
	s2 =	stileid.u32  }
0x6d: {  	s1 =	rddreg [dreg:$0x1];
	p0 =	sne.s32 s2, $0x0  }
0x6e: {  	s3 =	rddreg [dreg:$0x2];
	[bflag:$0x3] =	sbarrier.arrive $0xFFFF;
	s2 =	simm.s32 @!p0 $0x1C01  }
0x6f: {  	[timem:s3], [sflag:s2] =	dma.local @!p0 [hbm:s0], s1  }
0x70: {  	s0 =	simm.s32 @!p0 $0x1  }
0x71: {  	_ =	swait.ge @!p0 [sflag:s0], s1  }
0x72: {  	s1 =	ssub.s32 @!p0 $0x0, s1;
	[sflag:s0] =	ssyncset.done @!p0 $0x0  }
0x73: {  	[sflag:s0] =	ssyncadd.s32 @!p0 s1  }
0x74: {  	[bflag:$0x3] =	sbarrier.arrive $0xFFFF  }
0x75: {  	_ =	shalt  }

</sc_bundles>
